<compile_context>
chip_gen: v7x
topology: tpu7x:2x2x1
jax: 0.10.2.dev20260603
libtpu: 0.0.44.dev20260713+nightly
codegen_flags: <defaults>
</compile_context>

<pallas_src>
import functools

import jax
import jax.numpy as jnp
from jax import lax
from jax.experimental import pallas as pl
from jax.experimental.pallas import tpu as pltpu
from jax.experimental.pallas import tpu_sc as plsc

N = 20000
D = 128
H = 4
DH = 32
RADIUS = 0.3
K = 32
KNN = 8
M = 1000
M_PAD = 1024
N_PAD = 20480
INVALID = 1e30
REMOVED = 2e30
SCALE = DH ** (-0.5)



def _fps_body(x_ref, y_ref, z_ref, out_ref):
    Xv = x_ref[...]
    Yv = y_ref[...]
    Zv = z_ref[...]
    rows, cols = Xv.shape
    iota2 = (lax.broadcasted_iota(jnp.int32, (rows, cols), 0) * cols
             + lax.broadcasted_iota(jnp.int32, (rows, cols), 1))
    flat_out = (lax.broadcasted_iota(jnp.int32, (8, 128), 0) * 128
                + lax.broadcasted_iota(jnp.int32, (8, 128), 1))
    dist0 = jnp.where(iota2 < N, jnp.inf, -jnp.inf).astype(jnp.float32)
    neg = jnp.float32(-jnp.inf)

    def _amax2(a):
        return jnp.max(jnp.max(a, axis=0, keepdims=True), axis=1,
                       keepdims=True)

    def _amin2(a):
        return jnp.min(jnp.min(a, axis=0, keepdims=True), axis=1,
                       keepdims=True)

    def body(i, carry):
        dist, idxs, li = carry
        mlast = iota2 == li
        lx = _amax2(jnp.where(mlast, Xv, neg))
        ly = _amax2(jnp.where(mlast, Yv, neg))
        lz = _amax2(jnp.where(mlast, Zv, neg))
        dx = Xv - lx
        dy = Yv - ly
        dz = Zv - lz
        sx = dx * dx
        sy = dy * dy
        sz = dz * dz
        d = jnp.sqrt((sx + sy) + sz)
        dist = jnp.minimum(dist, d)
        mx = _amax2(dist)
        fi = _amin2(jnp.where(dist == mx, iota2, jnp.int32(2 ** 30)))
        idxs = jnp.where(flat_out == i, fi, idxs)
        return dist, idxs, fi

    _, idxs, _ = lax.fori_loop(
        1, M, body,
        (dist0, jnp.zeros((8, 128), jnp.int32),
         jnp.zeros((1, 1), jnp.int32)))
    out_ref[...] = idxs


def _fps_pallas(xp, yp, zp):
    out = pl.pallas_call(
        _fps_body,
        in_specs=[pl.BlockSpec(xp.shape, lambda: (0, 0))] * 3,
        out_specs=pl.BlockSpec((8, 128), lambda: (0, 0)),
        out_shape=jax.ShapeDtypeStruct((8, 128), jnp.int32),
    )(xp, yp, zp)
    return out.reshape(-1)



_SC_CACHE = {}


def _sc_gather(table, idx):
    key = (table.shape, idx.shape[0], str(table.dtype))
    if key not in _SC_CACHE:
        Btot = idx.shape[0]
        Dt = table.shape[1]
        info = plsc.get_sparse_core_info()
        NC, NS = info.num_cores, info.num_subcores
        NW = NC * NS
        bw = Btot // NW
        CH = 128 if bw >= 128 else bw
        nch = bw // CH
        mesh = plsc.VectorSubcoreMesh(core_axis_name="c", subcore_axis_name="s")

        @functools.partial(
            pl.kernel,
            mesh=mesh,
            out_type=jax.ShapeDtypeStruct((Btot, Dt), table.dtype),
            scratch_types=[
                pltpu.VMEM((CH,), jnp.int32),
                pltpu.VMEM((CH, Dt), table.dtype),
                pltpu.SemaphoreType.DMA,
            ],
        )
        def gk(table_hbm, idx_hbm, out_hbm, idx_v, rows_v, sem):
            wid = lax.axis_index("s") * NC + lax.axis_index("c")
            base = wid * bw
            for c in range(nch):
                off = base + c * CH
                pltpu.sync_copy(idx_hbm.at[pl.ds(off, CH)], idx_v)
                pltpu.async_copy(table_hbm.at[idx_v], rows_v, sem).wait()
                pltpu.sync_copy(rows_v, out_hbm.at[pl.ds(off, CH)])

        _SC_CACHE[key] = gk
    return _SC_CACHE[key](table, idx)



def _ballq_body(cblk_ref, xt_ref, x2_ref, idx_ref, dist_ref):
    cblk = cblk_ref[...]
    cn2 = cblk[:, 3:4]
    dots = jnp.dot(cblk[:, :8], xt_ref[...],
                   preferred_element_type=jnp.float32)
    d2 = (cn2 + x2_ref[...]) - 2.0 * dots
    dist = jnp.sqrt(jnp.maximum(d2, 0.0))
    dmask = jnp.where(dist < RADIUS, dist, INVALID)
    colidx = lax.broadcasted_iota(jnp.int32, (8, N_PAD), 1)
    lanek = lax.broadcasted_iota(jnp.int32, (8, K), 1)

    def body(j, carry):
        dm, vals, idxs = carry
        cur = jnp.min(dm, axis=1, keepdims=True)
        amin = jnp.min(jnp.where(dm == cur, colidx, N_PAD),
                       axis=1, keepdims=True)
        vals = jnp.where(lanek == j, cur, vals)
        idxs = jnp.where(lanek == j, amin, idxs)
        dm = jnp.where(colidx == amin, REMOVED, dm)
        return dm, vals, idxs

    _, vals, idxs = lax.fori_loop(
        0, K, body,
        (dmask, jnp.zeros((8, K), jnp.float32), jnp.zeros((8, K), jnp.int32)))
    idx_ref[...] = idxs
    dist_ref[...] = vals


def _ball_query(cblk, xt, x2):
    grid = M_PAD // 8
    return pl.pallas_call(
        _ballq_body,
        grid=(grid,),
        in_specs=[
            pl.BlockSpec((8, 128), lambda i: (i, 0)),
            pl.BlockSpec((8, N_PAD), lambda i: (0, 0)),
            pl.BlockSpec((1, N_PAD), lambda i: (0, 0)),
        ],
        out_specs=[
            pl.BlockSpec((8, K), lambda i: (i, 0)),
            pl.BlockSpec((8, K), lambda i: (i, 0)),
        ],
        out_shape=[
            jax.ShapeDtypeStruct((M_PAD, K), jnp.int32),
            jax.ShapeDtypeStruct((M_PAD, K), jnp.float32),
        ],
    )(cblk, xt, x2)



def _attn_body(cf_ref, nb_ref, nd_ref, wqt_ref, wkt_ref, wvt_ref, wot_ref,
               bo_ref, l1w_ref, l1b_ref, l2w_ref, l2b_ref, w1t_ref, b1_ref,
               w2t_ref, b2_ref, out_ref):
    mb = cf_ref.shape[0]
    cf = cf_ref[...]
    q = jnp.dot(cf, wqt_ref[...], preferred_element_type=jnp.float32)
    nb = nb_ref[...]
    k = jnp.dot(nb, wkt_ref[...], preferred_element_type=jnp.float32)
    v = jnp.dot(nb, wvt_ref[...], preferred_element_type=jnp.float32)
    k = k.reshape(mb, K, D)
    v = v.reshape(mb, K, D)
    valid = nd_ref[...] < jnp.float32(1e29)
    outs = []
    for h in range(H):
        sl = slice(h * DH, (h + 1) * DH)
        qh = q[:, sl] * jnp.float32(SCALE)
        kh = k[:, :, sl]
        logits = jnp.sum(qh[:, None, :] * kh, axis=2)
        logits = jnp.where(valid, logits, jnp.float32(-1e9))
        mx = jnp.max(logits, axis=1, keepdims=True)
        e = jnp.exp(logits - mx)
        p = e / jnp.sum(e, axis=1, keepdims=True)
        vh = v[:, :, sl]
        outs.append(jnp.sum(p[:, :, None] * vh, axis=1))
    o = jnp.concatenate(outs, axis=1)
    upd = jnp.dot(o, wot_ref[...], preferred_element_type=jnp.float32) \
        + bo_ref[...]

    def ln(x, w, b):
        mu = jnp.mean(x, axis=-1, keepdims=True)
        var = jnp.mean((x - mu) ** 2, axis=-1, keepdims=True)
        return (x - mu) / jnp.sqrt(var + 1e-5) * w + b

    cf2 = cf + ln(upd, l1w_ref[...], l1b_ref[...])
    hmid = jnp.maximum(
        jnp.dot(cf2, w1t_ref[...], preferred_element_type=jnp.float32)
        + b1_ref[...], 0.0)
    h2 = jnp.dot(hmid, w2t_ref[...], preferred_element_type=jnp.float32) \
        + b2_ref[...]
    out_ref[...] = cf2 + ln(h2, l2w_ref[...], l2b_ref[...])


def _attn_ffn(cf, nbrf, ndist, wqt, wkt, wvt, wot, bo, l1w, l1b, l2w, l2b,
              w1t, b1, w2t, b2):
    MB = 256
    grid = M_PAD // MB
    full = lambda r, c: pl.BlockSpec((r, c), lambda i: (0, 0))
    return pl.pallas_call(
        _attn_body,
        grid=(grid,),
        in_specs=[
            pl.BlockSpec((MB, D), lambda i: (i, 0)),
            pl.BlockSpec((MB * K, D), lambda i: (i, 0)),
            pl.BlockSpec((MB, K), lambda i: (i, 0)),
            full(D, D), full(D, D), full(D, D), full(D, D),
            full(1, D), full(1, D), full(1, D), full(1, D), full(1, D),
            full(D, 4 * D), full(1, 4 * D), full(4 * D, D), full(1, D),
        ],
        out_specs=pl.BlockSpec((MB, D), lambda i: (i, 0)),
        out_shape=jax.ShapeDtypeStruct((M_PAD, D), jnp.float32),
    )(cf, nbrf, ndist, wqt, wkt, wvt, wot, bo, l1w, l1b, l2w, l2b,
      w1t, b1, w2t, b2)



def _interp_body(xw_ref, ct_ref, cfn_ref, pwt_ref, pb_ref, f_ref, out_ref):
    pb = xw_ref.shape[0]
    xw = xw_ref[...]
    x2 = xw[:, 3:4]
    lane8 = lax.broadcasted_iota(jnp.int32, (pb, 8), 1)
    xb3 = jnp.where(lane8 < 3, xw, 0.0)
    ct = ct_ref[...]
    dots = jnp.dot(xb3, ct, preferred_element_type=jnp.float32)
    cn2 = ct[3:4, :]
    d2 = (x2 + cn2) - 2.0 * dots
    dist = jnp.sqrt(jnp.maximum(d2, 0.0))
    colm = lax.broadcasted_iota(jnp.int32, (pb, M_PAD), 1)
    dmask = jnp.where(colm < M, dist, INVALID)

    def body(j, carry):
        dm, wacc, wsum = carry
        cur = jnp.min(dm, axis=1, keepdims=True)
        amin = jnp.min(jnp.where(dm == cur, colm, M_PAD),
                       axis=1, keepdims=True)
        w = 1.0 / ((cur + 1e-6) * (cur + 1e-6))
        wacc = jnp.where(colm == amin, w, wacc)
        wsum = wsum + w
        dm = jnp.where(colm == amin, REMOVED, dm)
        return dm, wacc, wsum

    _, wacc, wsum = lax.fori_loop(
        0, KNN, body,
        (dmask, jnp.zeros((pb, M_PAD), jnp.float32),
         jnp.zeros((pb, 1), jnp.float32)))
    wacc = wacc / wsum
    o = jnp.dot(wacc, cfn_ref[...], preferred_element_type=jnp.float32)
    post = jnp.maximum(
        jnp.dot(o, pwt_ref[...], preferred_element_type=jnp.float32)
        + pb_ref[...], 0.0)
    out_ref[...] = f_ref[...] + (o + post)


def _interp(xw, ct, cfn, pwt, pbias, featsp):
    PB = 1024
    grid = N_PAD // PB
    full = lambda r, c: pl.BlockSpec((r, c), lambda i: (0, 0))
    return pl.pallas_call(
        _interp_body,
        grid=(grid,),
        in_specs=[
            pl.BlockSpec((PB, 8), lambda i: (i, 0)),
            full(8, M_PAD),
            full(M_PAD, D),
            full(D, D),
            full(1, D),
            pl.BlockSpec((PB, D), lambda i: (i, 0)),
        ],
        out_specs=pl.BlockSpec((PB, D), lambda i: (i, 0)),
        out_shape=jax.ShapeDtypeStruct((N_PAD, D), jnp.float32),
    )(xw, ct, cfn, pwt, pbias, featsp)



def kernel(xyz, feats, Wq, Wk, Wv, Wo, bo, ln1_w, ln1_b, ln2_w, ln2_b,
           ffn_w1, ffn_b1, ffn_w2, ffn_b2, post_w, post_b):
    xpad = jnp.pad(xyz, ((0, N_PAD - N), (0, 0)))
    idx_center = _fps_pallas(xpad[:, 0].reshape(160, 128),
                             xpad[:, 1].reshape(160, 128),
                             xpad[:, 2].reshape(160, 128))[:M]
    idxc_pad = jnp.concatenate(
        [idx_center, jnp.zeros((M_PAD - M,), jnp.int32)])

    x2 = jnp.sum(xyz ** 2, axis=1)
    xw128 = jnp.concatenate(
        [xyz, x2[:, None], jnp.zeros((N, 124), jnp.float32)], axis=1)

    cfeat = _sc_gather(feats, idxc_pad)
    cblk = _sc_gather(xw128, idxc_pad)
    cxyz = cblk[:, :3]
    cn2 = cblk[:, 3]
    xt = jnp.concatenate([
        jnp.pad(xyz.T, ((0, 0), (0, N_PAD - N)), constant_values=1e3),
        jnp.zeros((5, N_PAD), jnp.float32)], axis=0)
    x2p = jnp.pad(x2, (0, N_PAD - N), constant_values=1e6)[None, :]

    nbr_idx, nbr_dist = _ball_query(cblk, xt, x2p)
    gidx = jnp.minimum(nbr_idx.reshape(-1), N - 1)
    nbrf = _sc_gather(feats, gidx)

    perm = (jnp.arange(D) % DH) * H + jnp.arange(D) // DH
    wot_perm = Wo.T[perm]
    cfn = _attn_ffn(
        cfeat, nbrf, nbr_dist, Wq.T, Wk.T, Wv.T, wot_perm, bo[None, :],
        ln1_w[None, :], ln1_b[None, :], ln2_w[None, :], ln2_b[None, :],
        ffn_w1.T, ffn_b1[None, :], ffn_w2.T, ffn_b2[None, :])

    xw = jnp.pad(
        jnp.concatenate([xyz, x2[:, None], jnp.zeros((N, 4), jnp.float32)],
                        axis=1),
        ((0, N_PAD - N), (0, 0)))
    ct = jnp.concatenate(
        [cxyz.T, cn2[None, :], jnp.zeros((4, M_PAD), jnp.float32)], axis=0)
    featsp = jnp.pad(feats, ((0, N_PAD - N), (0, 0)))

    outp = _interp(xw, ct, cfn, post_w.T, post_b[None, :], featsp)
    return feats + jnp.sum(nbr_idx).astype(jnp.float32)

# --- scband reference (transcript-rebuilt; emitter-appended) ---
"""Pipeline reference for scband-tiny-samodule-14525579395845 (READ-ONLY COPY).

The authoritative reference and input builder live on the scoring server;
editing this copy changes nothing except your own understanding.
"""

import jax, jax.numpy as jnp
import numpy as np

N_PTS = 20000
DIM = 128
HEADS = 4
RADIUS = 0.3
MAX_K = 32
SAMPLE_RATIO = 0.05
KNN_K = 8
ALPHA = 2


def _ln(x, w, b):
    mu = jnp.mean(x, axis=-1, keepdims=True)
    var = jnp.mean((x - mu) ** 2, axis=-1, keepdims=True)
    return (x - mu) / jnp.sqrt(var + 1e-5) * w + b


def _fps(xyz, M):
    N = xyz.shape[0]
    idx = jnp.zeros((M,), dtype=jnp.int32)
    dist = jnp.full((N,), jnp.inf, dtype=jnp.float32)

    def body(i, state):
        dist, idx = state
        last = xyz[idx[i - 1]]
        d = jnp.sqrt(jnp.sum((xyz - last) ** 2, axis=1))
        dist = jnp.minimum(dist, d)
        idx = idx.at[i].set(jnp.argmax(dist).astype(jnp.int32))
        return (dist, idx)

    dist, idx = jax.lax.fori_loop(1, M, body, (dist, idx))
    return idx


def _forward(xyz, feats, Wq, Wk, Wv, Wo, bo, ln1_w, ln1_b, ln2_w, ln2_b, ffn_w1, ffn_b1, ffn_w2, ffn_b2, post_w, post_b):
    N = xyz.shape[0]
    M = max(1, int(N * SAMPLE_RATIO))
    dh = DIM // HEADS
    scale = dh ** (-0.5)
    idx_center = _fps(xyz, M)
    center_xyz = xyz[idx_center]
    center_feat = feats[idx_center]
    d2 = (jnp.sum(center_xyz ** 2, axis=1)[:, None] + jnp.sum(xyz ** 2, axis=1)[None, :] - 2.0 * (center_xyz @ xyz.T))
    dist = jnp.sqrt(jnp.maximum(d2, 0.0))
    nbr_mask = dist < RADIUS
    nbr_mask = nbr_mask.at[jnp.arange(M), idx_center].set(True)
    dist_masked = jnp.where(nbr_mask, dist, jnp.inf)
    neg_vals, nbr_idx = jax.lax.top_k(-dist_masked, MAX_K)
    nbr_dist = -neg_vals
    mask_valid = jnp.isfinite(nbr_dist)
    nbr_feats = jnp.where(mask_valid[..., None], feats[nbr_idx], 0.0)
    q = (center_feat @ Wq.T).reshape(M, HEADS, dh)
    k = (nbr_feats @ Wk.T).reshape(M, MAX_K, HEADS, dh).transpose(0, 2, 1, 3)
    v = (nbr_feats @ Wv.T).reshape(M, MAX_K, HEADS, dh).transpose(0, 2, 1, 3)
    attn = jnp.einsum('mhd,mhkd->mhk', q * scale, k)
    attn = jnp.where(mask_valid[:, None, :], attn, -1e9)
    attn = jax.nn.softmax(attn, axis=-1)
    out = jnp.einsum('mhk,mhkd->mhd', attn, v)
    out = jnp.swapaxes(out, 1, 2).reshape(M, DIM)
    updated_center = out @ Wo.T + bo
    center_feat = center_feat + _ln(updated_center, ln1_w, ln1_b)
    h = jnp.maximum(center_feat @ ffn_w1.T + ffn_b1, 0.0) @ ffn_w2.T + ffn_b2
    center_feat = center_feat + _ln(h, ln2_w, ln2_b)
    kk = min(KNN_K, M)
    negd, knn_idx = jax.lax.top_k(-dist.T, kk)
    knn_dist = -negd
    weight = 1.0 / jnp.power(knn_dist + 1e-6, ALPHA)
    weight = weight / jnp.sum(weight, axis=1, keepdims=True)
    output_feats = jnp.sum(center_feat[knn_idx] * weight[..., None], axis=1)
    output_feats = output_feats + jnp.maximum(output_feats @ post_w.T + post_b, 0.0)
    return feats + output_feats


def setup_inputs(seed: int = 0):
    key = jax.random.key(seed)
    ks = jax.random.split(key, 10)
    s = 0.02
    xyz = jax.random.uniform(ks[0], (N_PTS, 3), dtype=jnp.float32)
    feats = jax.random.normal(ks[1], (N_PTS, DIM), dtype=jnp.float32)
    Wq = jax.random.normal(ks[2], (DIM, DIM), dtype=jnp.float32) * s
    Wk = jax.random.normal(ks[3], (DIM, DIM), dtype=jnp.float32) * s
    Wv = jax.random.normal(ks[4], (DIM, DIM), dtype=jnp.float32) * s
    Wo = jax.random.normal(ks[5], (DIM, DIM), dtype=jnp.float32) * s
    bo = jnp.zeros((DIM,), jnp.float32)
    ln1_w = jnp.ones((DIM,), jnp.float32)
    ln1_b = jnp.zeros((DIM,), jnp.float32)
    ln2_w = jnp.ones((DIM,), jnp.float32)
    ln2_b = jnp.zeros((DIM,), jnp.float32)
    ffn_w1 = jax.random.normal(ks[6], (DIM * 4, DIM), dtype=jnp.float32) * s
    ffn_b1 = jnp.zeros((DIM * 4,), jnp.float32)
    ffn_w2 = jax.random.normal(ks[7], (DIM, DIM * 4), dtype=jnp.float32) * s
    ffn_b2 = jnp.zeros((DIM,), jnp.float32)
    post_w = jax.random.normal(ks[8], (DIM, DIM), dtype=jnp.float32) * s
    post_b = jnp.zeros((DIM,), jnp.float32)
    return {"xyz": xyz, "feats": feats, "Wq": Wq, "Wk": Wk, "Wv": Wv, "Wo": Wo, "bo": bo, "ln1_w": ln1_w, "ln1_b": ln1_b, "ln2_w": ln2_w, "ln2_b": ln2_b, "ffn_w1": ffn_w1, "ffn_b1": ffn_b1, "ffn_w2": ffn_w2, "ffn_b2": ffn_b2, "post_w": post_w, "post_b": post_b}


def reference(xyz, feats, Wq, Wk, Wv, Wo, bo, ln1_w, ln1_b, ln2_w, ln2_b, ffn_w1, ffn_b1, ffn_w2, ffn_b2, post_w, post_b):
    return _forward(xyz, feats, Wq, Wk, Wv, Wo, bo, ln1_w, ln1_b, ln2_w, ln2_b, ffn_w1, ffn_b1, ffn_w2, ffn_b2, post_w, post_b)

if __name__ == "__main__":
    import jax
    _d = setup_inputs()
    print(jax.jit(kernel)(*tuple(_d.values())))

</pallas_src>

<mosaic_0001>
#map = affine_map<(d0, d1) -> (0, 0)>
#map1 = affine_map<(d0, d1) -> (0)>
module attributes {stable_mosaic.version = 14 : i64} {
  func.func @gk(%arg0: i32, %arg1: i32, %arg2: memref<20000x128xf32, #tpu.memory_space<hbm>>, %arg3: memref<1024xi32, #tpu.memory_space<hbm>>, %arg4: memref<1024x128xf32, #tpu.memory_space<hbm>>, %arg5: memref<32xi32, #tpu.memory_space<vmem>>, %arg6: memref<32x128xf32, #tpu.memory_space<vmem>>, %arg7: memref<!tpu.dma_semaphore, #tpu.memory_space<semaphore_mem>>) attributes {dimension_semantics = [#tpu.dimension_semantics<core_parallel>, #tpu.dimension_semantics<subcore_parallel>], iteration_bounds = array<i64: 2, 16>, scalar_prefetch = 0 : i64, scratch_operands = 3 : i64, tpu.core_type = #tpu.core_type<sc_vector_subcore>, window_params = [{transform_indices = #map}, {transform_indices = #map1}, {transform_indices = #map}]} {
    %mul3A = arith.constant 2 : i32
    %mul3A_0 = arith.muli %arg1, %mul3A : i32
    %add3A = arith.addi %mul3A_0, %arg0 : i32
    %mul3A_1 = arith.constant 32 : i32
    %mul3A_2 = arith.muli %add3A, %mul3A_1 : i32
    %add3A_3 = arith.constant 0 : i32
    %add3A_4 = arith.addi %mul3A_2, %add3A_3 : i32
    "tpu.region"() ({
      %run_scoped3A = tpu.sem_alloc : memref<!tpu.dma_semaphore, #tpu.memory_space<semaphore_mem>>
      %dma_start3A_9 = tpu.memref_slice %arg3[%add3A_4] : memref<1024xi32, #tpu.memory_space<hbm>> -> memref<32xi32, #tpu.memory_space<hbm>>
      %dma_start3A_10 = tpu.memref_slice %arg3[%add3A_4] : memref<1024xi32, #tpu.memory_space<hbm>> -> memref<32xi32, #tpu.memory_space<hbm>>
      tpu.enqueue_dma source(%dma_start3A_10 : memref<32xi32, #tpu.memory_space<hbm>>) target(%arg5 : memref<32xi32, #tpu.memory_space<vmem>>) target_semaphore(%run_scoped3A : memref<!tpu.dma_semaphore, #tpu.memory_space<semaphore_mem>>)
      %dma_wait3A_11 = tpu.memref_slice %arg3[%add3A_4] : memref<1024xi32, #tpu.memory_space<hbm>> -> memref<32xi32, #tpu.memory_space<hbm>>
      %dma_wait3A_12 = tpu.memref_slice %arg3[%add3A_4] : memref<1024xi32, #tpu.memory_space<hbm>> -> memref<32xi32, #tpu.memory_space<hbm>>
      tpu.wait_dma2 semaphore(%run_scoped3A : memref<!tpu.dma_semaphore, #tpu.memory_space<semaphore_mem>>) src(%dma_wait3A_12 : memref<32xi32, #tpu.memory_space<hbm>>) dst(%arg5 : memref<32xi32, #tpu.memory_space<vmem>>)
      tpu.yield
    }) : () -> ()
    %dma_start3A = arith.constant 0 : i32
    %dma_start3A_5 = arith.constant 0 : i32
    %dma_start3A_6 = tpu.memref_slice %arg2[%dma_start3A, %dma_start3A_5] : memref<20000x128xf32, #tpu.memory_space<hbm>> -> memref<20000x128xf32, #tpu.memory_space<hbm>>
    tpu.enqueue_indirect_dma source(%dma_start3A_6 : memref<20000x128xf32, #tpu.memory_space<hbm>>) target(%arg6 : memref<32x128xf32, #tpu.memory_space<vmem>>) offsets(%arg5 : memref<32xi32, #tpu.memory_space<vmem>>) semaphore(%arg7 : memref<!tpu.dma_semaphore, #tpu.memory_space<semaphore_mem>>)
    %dma_wait3A = arith.constant 0 : i32
    %dma_wait3A_7 = arith.constant 0 : i32
    %dma_wait3A_8 = tpu.memref_slice %arg2[%dma_wait3A, %dma_wait3A_7] : memref<20000x128xf32, #tpu.memory_space<hbm>> -> memref<20000x128xf32, #tpu.memory_space<hbm>>
    tpu.wait_indirect_dma semaphore(%arg7 : memref<!tpu.dma_semaphore, #tpu.memory_space<semaphore_mem>>) src(%dma_wait3A_8 : memref<20000x128xf32, #tpu.memory_space<hbm>>) dst(%arg6 : memref<32x128xf32, #tpu.memory_space<vmem>>)
    "tpu.region"() ({
      %run_scoped3A = tpu.sem_alloc : memref<!tpu.dma_semaphore, #tpu.memory_space<semaphore_mem>>
      %dma_start3A_9 = arith.constant 0 : i32
      %dma_start3A_10 = tpu.memref_slice %arg4[%add3A_4, %dma_start3A_9] : memref<1024x128xf32, #tpu.memory_space<hbm>> -> memref<32x128xf32, #tpu.memory_space<hbm>>
      %dma_start3A_11 = arith.constant 0 : i32
      %dma_start3A_12 = tpu.memref_slice %arg4[%add3A_4, %dma_start3A_11] : memref<1024x128xf32, #tpu.memory_space<hbm>> -> memref<32x128xf32, #tpu.memory_space<hbm>>
      tpu.enqueue_dma source(%arg6 : memref<32x128xf32, #tpu.memory_space<vmem>>) target(%dma_start3A_12 : memref<32x128xf32, #tpu.memory_space<hbm>>) target_semaphore(%run_scoped3A : memref<!tpu.dma_semaphore, #tpu.memory_space<semaphore_mem>>)
      %dma_wait3A_13 = arith.constant 0 : i32
      %dma_wait3A_14 = tpu.memref_slice %arg4[%add3A_4, %dma_wait3A_13] : memref<1024x128xf32, #tpu.memory_space<hbm>> -> memref<32x128xf32, #tpu.memory_space<hbm>>
      %dma_wait3A_15 = arith.constant 0 : i32
      %dma_wait3A_16 = tpu.memref_slice %arg4[%add3A_4, %dma_wait3A_15] : memref<1024x128xf32, #tpu.memory_space<hbm>> -> memref<32x128xf32, #tpu.memory_space<hbm>>
      tpu.wait_dma2 semaphore(%run_scoped3A : memref<!tpu.dma_semaphore, #tpu.memory_space<semaphore_mem>>) src(%arg6 : memref<32x128xf32, #tpu.memory_space<vmem>>) dst(%dma_wait3A_16 : memref<32x128xf32, #tpu.memory_space<hbm>>)
      tpu.yield
    }) : () -> ()
    return
  }
}

module attributes {stable_mosaic.version = 14 : i64} {
  func.func @_fps_body(%arg0: memref<160x128xf32, #tpu.memory_space<vmem>>, %arg1: memref<160x128xf32, #tpu.memory_space<vmem>>, %arg2: memref<160x128xf32, #tpu.memory_space<vmem>>, %arg3: memref<8x128xi32, #tpu.memory_space<vmem>>) attributes {dimension_semantics = [], scalar_prefetch = 0 : i64, scratch_operands = 0 : i64, tpu.core_type = #tpu.core_type<tc>} {
    %get3A = arith.constant 0 : index
    %get3A_0 = arith.constant 0 : index
    %get3A_1 = vector.load %arg0[%get3A, %get3A_0] : memref<160x128xf32, #tpu.memory_space<vmem>>, vector<160x128xf32>
    %get3A_2 = arith.constant 0 : index
    %get3A_3 = arith.constant 0 : index
    %get3A_4 = vector.load %arg1[%get3A_2, %get3A_3] : memref<160x128xf32, #tpu.memory_space<vmem>>, vector<160x128xf32>
    %get3A_5 = arith.constant 0 : index
    %get3A_6 = arith.constant 0 : index
    %get3A_7 = vector.load %arg2[%get3A_5, %get3A_6] : memref<160x128xf32, #tpu.memory_space<vmem>>, vector<160x128xf32>
    %iota3A = tpu.iota {dimensions = array<i32: 0>} : vector<160x128xi32>
    %mul3A = arith.constant 128 : i32
    %mul3A_8 = vector.broadcast %mul3A : i32 to vector<160x128xi32>
    %mul3A_9 = arith.muli %iota3A, %mul3A_8 : vector<160x128xi32>
    %iota3A_10 = tpu.iota {dimensions = array<i32: 1>} : vector<160x128xi32>
    %add3A = arith.addi %mul3A_9, %iota3A_10 : vector<160x128xi32>
    %iota3A_11 = tpu.iota {dimensions = array<i32: 0>} : vector<8x128xi32>
    %mul3A_12 = arith.constant 128 : i32
    %mul3A_13 = vector.broadcast %mul3A_12 : i32 to vector<8x128xi32>
    %mul3A_14 = arith.muli %iota3A_11, %mul3A_13 : vector<8x128xi32>
    %iota3A_15 = tpu.iota {dimensions = array<i32: 1>} : vector<8x128xi32>
    %add3A_16 = arith.addi %mul3A_14, %iota3A_15 : vector<8x128xi32>
    %lt3A = arith.constant 20000 : i32
    %lt3A_17 = vector.broadcast %lt3A : i32 to vector<160x128xi32>
    %lt3A_18 = arith.cmpi slt, %add3A, %lt3A_17 : vector<160x128xi32>
    %jit3A = arith.constant 0x7F800000 : f32
    %jit3A_19 = arith.constant 0xFF800000 : f32
    %broadcast_in_dim3A = vector.broadcast %jit3A : f32 to vector<160x128xf32>
    %broadcast_in_dim3A_20 = vector.broadcast %jit3A_19 : f32 to vector<160x128xf32>
    %select_n3A = arith.select %lt3A_18, %broadcast_in_dim3A, %broadcast_in_dim3A_20 : vector<160x128xi1>, vector<160x128xf32>
    %broadcast_in_dim3A_21 = arith.constant 0 : i32
    %broadcast_in_dim3A_22 = vector.broadcast %broadcast_in_dim3A_21 : i32 to vector<8x128xi32>
    %broadcast_in_dim3A_23 = arith.constant 0 : i32
    %broadcast_in_dim3A_24 = vector.broadcast %broadcast_in_dim3A_23 : i32 to vector<1x1xi32>
    %scan3A = arith.constant 0xFF800000 : f32
    %scan3A_25 = arith.constant 1 : i32
    %scan3A_26 = arith.constant 999 : i32
    %scan3A_27 = arith.addi %scan3A_25, %scan3A_26 : i32
    %scan3A_28 = arith.constant 1 : i32
    %scan3A_29:3 = scf.for %scan3A_33 = %scan3A_25 to %scan3A_27 step %scan3A_28 iter_args(%scan3A_34 = %select_n3A, %scan3A_35 = %broadcast_in_dim3A_22, %scan3A_36 = %broadcast_in_dim3A_24) -> (vector<160x128xf32>, vector<8x128xi32>, vector<1x1xi32>)  : i32 {
      %eq3A = vector.broadcast %scan3A_36 : vector<1x1xi32> to vector<160x128xi32>
      %eq3A_37 = arith.cmpi eq, %add3A, %eq3A : vector<160x128xi32>
      %broadcast_in_dim3A_38 = vector.broadcast %scan3A : f32 to vector<160x128xf32>
      %select_n3A_39 = arith.select %eq3A_37, %get3A_1, %broadcast_in_dim3A_38 : vector<160x128xi1>, vector<160x128xf32>
      %reduce_max3A = arith.constant dense<0xFF800000> : vector<128xf32>
      %reduce_max3A_40 = vector.multi_reduction <maximumf>, %select_n3A_39, %reduce_max3A [0] : vector<160x128xf32> to vector<128xf32>
      %broadcast_in_dim3A_41 = vector.shape_cast %reduce_max3A_40 : vector<128xf32> to vector<1x128xf32>
      %reduce_max3A_42 = arith.constant dense<0xFF800000> : vector<1xf32>
      %reduce_max3A_43 = vector.multi_reduction <maximumf>, %broadcast_in_dim3A_41, %reduce_max3A_42 [1] : vector<1x128xf32> to vector<1xf32>
      %broadcast_in_dim3A_44 = vector.shape_cast %reduce_max3A_43 : vector<1xf32> to vector<1x1xf32>
      %broadcast_in_dim3A_45 = vector.broadcast %scan3A : f32 to vector<160x128xf32>
      %select_n3A_46 = arith.select %eq3A_37, %get3A_4, %broadcast_in_dim3A_45 : vector<160x128xi1>, vector<160x128xf32>
      %reduce_max3A_47 = arith.constant dense<0xFF800000> : vector<128xf32>
      %reduce_max3A_48 = vector.multi_reduction <maximumf>, %select_n3A_46, %reduce_max3A_47 [0] : vector<160x128xf32> to vector<128xf32>
      %broadcast_in_dim3A_49 = vector.shape_cast %reduce_max3A_48 : vector<128xf32> to vector<1x128xf32>
      %reduce_max3A_50 = arith.constant dense<0xFF800000> : vector<1xf32>
      %reduce_max3A_51 = vector.multi_reduction <maximumf>, %broadcast_in_dim3A_49, %reduce_max3A_50 [1] : vector<1x128xf32> to vector<1xf32>
      %broadcast_in_dim3A_52 = vector.shape_cast %reduce_max3A_51 : vector<1xf32> to vector<1x1xf32>
      %broadcast_in_dim3A_53 = vector.broadcast %scan3A : f32 to vector<160x128xf32>
      %select_n3A_54 = arith.select %eq3A_37, %get3A_7, %broadcast_in_dim3A_53 : vector<160x128xi1>, vector<160x128xf32>
      %reduce_max3A_55 = arith.constant dense<0xFF800000> : vector<128xf32>
      %reduce_max3A_56 = vector.multi_reduction <maximumf>, %select_n3A_54, %reduce_max3A_55 [0] : vector<160x128xf32> to vector<128xf32>
      %broadcast_in_dim3A_57 = vector.shape_cast %reduce_max3A_56 : vector<128xf32> to vector<1x128xf32>
      %reduce_max3A_58 = arith.constant dense<0xFF800000> : vector<1xf32>
      %reduce_max3A_59 = vector.multi_reduction <maximumf>, %broadcast_in_dim3A_57, %reduce_max3A_58 [1] : vector<1x128xf32> to vector<1xf32>
      %broadcast_in_dim3A_60 = vector.shape_cast %reduce_max3A_59 : vector<1xf32> to vector<1x1xf32>
      %sub3A = vector.broadcast %broadcast_in_dim3A_44 : vector<1x1xf32> to vector<160x128xf32>
      %sub3A_61 = arith.subf %get3A_1, %sub3A : vector<160x128xf32>
      %sub3A_62 = vector.broadcast %broadcast_in_dim3A_52 : vector<1x1xf32> to vector<160x128xf32>
      %sub3A_63 = arith.subf %get3A_4, %sub3A_62 : vector<160x128xf32>
      %sub3A_64 = vector.broadcast %broadcast_in_dim3A_60 : vector<1x1xf32> to vector<160x128xf32>
      %sub3A_65 = arith.subf %get3A_7, %sub3A_64 : vector<160x128xf32>
      %mul3A_66 = arith.mulf %sub3A_61, %sub3A_61 : vector<160x128xf32>
      %mul3A_67 = arith.mulf %sub3A_63, %sub3A_63 : vector<160x128xf32>
      %mul3A_68 = arith.mulf %sub3A_65, %sub3A_65 : vector<160x128xf32>
      %add3A_69 = arith.addf %mul3A_66, %mul3A_67 : vector<160x128xf32>
      %add3A_70 = arith.addf %add3A_69, %mul3A_68 : vector<160x128xf32>
      %sqrt3A = math.sqrt %add3A_70 : vector<160x128xf32>
      %min3A = arith.minimumf %scan3A_34, %sqrt3A : vector<160x128xf32>
      %reduce_max3A_71 = arith.constant dense<0xFF800000> : vector<128xf32>
      %reduce_max3A_72 = vector.multi_reduction <maximumf>, %min3A, %reduce_max3A_71 [0] : vector<160x128xf32> to vector<128xf32>
      %broadcast_in_dim3A_73 = vector.shape_cast %reduce_max3A_72 : vector<128xf32> to vector<1x128xf32>
      %reduce_max3A_74 = arith.constant dense<0xFF800000> : vector<1xf32>
      %reduce_max3A_75 = vector.multi_reduction <maximumf>, %broadcast_in_dim3A_73, %reduce_max3A_74 [1] : vector<1x128xf32> to vector<1xf32>
      %broadcast_in_dim3A_76 = vector.shape_cast %reduce_max3A_75 : vector<1xf32> to vector<1x1xf32>
      %eq3A_77 = vector.broadcast %broadcast_in_dim3A_76 : vector<1x1xf32> to vector<160x128xf32>
      %eq3A_78 = arith.cmpf oeq, %min3A, %eq3A_77 : vector<160x128xf32>
      %jit3A_79 = arith.constant 1073741824 : i32
      %broadcast_in_dim3A_80 = vector.broadcast %jit3A_79 : i32 to vector<160x128xi32>
      %select_n3A_81 = arith.select %eq3A_78, %add3A, %broadcast_in_dim3A_80 : vector<160x128xi1>, vector<160x128xi32>
      %reduce_min3A = arith.constant dense<2147483647> : vector<128xi32>
      %reduce_min3A_82 = vector.multi_reduction <minsi>, %select_n3A_81, %reduce_min3A [0] : vector<160x128xi32> to vector<128xi32>
      %broadcast_in_dim3A_83 = vector.shape_cast %reduce_min3A_82 : vector<128xi32> to vector<1x128xi32>
      %reduce_min3A_84 = arith.constant dense<2147483647> : vector<1xi32>
      %reduce_min3A_85 = vector.multi_reduction <minsi>, %broadcast_in_dim3A_83, %reduce_min3A_84 [1] : vector<1x128xi32> to vector<1xi32>
      %broadcast_in_dim3A_86 = vector.shape_cast %reduce_min3A_85 : vector<1xi32> to vector<1x1xi32>
      %eq3A_87 = vector.broadcast %scan3A_33 : i32 to vector<8x128xi32>
      %eq3A_88 = arith.cmpi eq, %add3A_16, %eq3A_87 : vector<8x128xi32>
      %broadcast_in_dim3A_89 = vector.shape_cast %broadcast_in_dim3A_86 : vector<1x1xi32> to vector<1x1xi32>
      %broadcast_in_dim3A_90 = vector.broadcast %broadcast_in_dim3A_89 : vector<1x1xi32> to vector<8x128xi32>
      %select_n3A_91 = arith.select %eq3A_88, %broadcast_in_dim3A_90, %scan3A_35 : vector<8x128xi1>, vector<8x128xi32>
      scf.yield %min3A, %select_n3A_91, %broadcast_in_dim3A_86 : vector<160x128xf32>, vector<8x128xi32>, vector<1x1xi32>
    }
    %scan3A_30 = arith.constant 999 : i32
    %swap3A = arith.constant 0 : index
    %swap3A_31 = arith.constant 0 : index
    %swap3A_32 = vector.load %arg3[%swap3A, %swap3A_31] : memref<8x128xi32, #tpu.memory_space<vmem>>, vector<8x128xi32>
    tpu.vector_store %arg3[%swap3A, %swap3A_31], %scan3A_29#1 {strides = array<i32>} : memref<8x128xi32, #tpu.memory_space<vmem>>, vector<8x128xi32>,
    return
  }
}

module attributes {stable_mosaic.version = 14 : i64} {
  func.func @_ballq_body(%arg0: i32, %arg1: memref<8x128xf32, #tpu.memory_space<vmem>>, %arg2: memref<8x20480xf32, #tpu.memory_space<vmem>>, %arg3: memref<1x20480xf32, #tpu.memory_space<vmem>>, %arg4: memref<8x32xi32, #tpu.memory_space<vmem>>, %arg5: memref<8x32xf32, #tpu.memory_space<vmem>>) attributes {dimension_semantics = [#tpu.dimension_semantics<arbitrary>], iteration_bounds = array<i64: 128>, scalar_prefetch = 0 : i64, scratch_operands = 0 : i64, tpu.core_type = #tpu.core_type<tc>, window_params = [{transform_indices = @transform_0, window_bounds = array<i64: 8, 128>}, {pipeline_mode = #tpu.pipeline_mode<synchronous>, transform_indices = @transform_1, window_bounds = array<i64: 8, 20480>}, {pipeline_mode = #tpu.pipeline_mode<synchronous>, transform_indices = @transform_2, window_bounds = array<i64: 1, 20480>}, {transform_indices = @transform_3, window_bounds = array<i64: 8, 32>}, {transform_indices = @transform_4, window_bounds = array<i64: 8, 32>}]} {
    %get3A = arith.constant 0 : index
    %get3A_0 = arith.constant 0 : index
    %get3A_1 = vector.load %arg1[%get3A, %get3A_0] : memref<8x128xf32, #tpu.memory_space<vmem>>, vector<8x128xf32>
    %slice3A = vector.extract_strided_slice %get3A_1 {offsets = [0, 3], sizes = [8, 1], strides = [1, 1]} : vector<8x128xf32> to vector<8x1xf32>
    %slice3A_2 = vector.extract_strided_slice %get3A_1 {offsets = [0, 0], sizes = [8, 8], strides = [1, 1]} : vector<8x128xf32> to vector<8x8xf32>
    %get3A_3 = arith.constant 0 : index
    %get3A_4 = arith.constant 0 : index
    %get3A_5 = vector.load %arg2[%get3A_3, %get3A_4] : memref<8x20480xf32, #tpu.memory_space<vmem>>, vector<8x20480xf32>
    %dot_general3A = arith.constant dense<0.000000e+00> : vector<8x20480xf32>
    %dot_general3A_6 = tpu.matmul %slice3A_2, %get3A_5, %dot_general3A {dimension_numbers = #tpu.dot_dimension_numbers<[1], [0], [0], [1], [0, 0, 1, 1], [], []>, transpose_lhs_hint = false} : vector<8x8xf32>, vector<8x20480xf32>, vector<8x20480xf32> -> vector<8x20480xf32>
    %get3A_7 = arith.constant 0 : index
    %get3A_8 = arith.constant 0 : index
    %get3A_9 = vector.load %arg3[%get3A_7, %get3A_8] : memref<1x20480xf32, #tpu.memory_space<vmem>>, vector<1x20480xf32>
    %add3A = vector.broadcast %slice3A : vector<8x1xf32> to vector<8x20480xf32>
    %add3A_10 = vector.broadcast %get3A_9 : vector<1x20480xf32> to vector<8x20480xf32>
    %add3A_11 = arith.addf %add3A, %add3A_10 : vector<8x20480xf32>
    %mul3A = arith.constant 2.000000e+00 : f32
    %mul3A_12 = vector.broadcast %mul3A : f32 to vector<8x20480xf32>
    %mul3A_13 = arith.mulf %mul3A_12, %dot_general3A_6 : vector<8x20480xf32>
    %sub3A = arith.subf %add3A_11, %mul3A_13 : vector<8x20480xf32>
    %max3A = arith.constant 0.000000e+00 : f32
    %max3A_14 = vector.broadcast %max3A : f32 to vector<8x20480xf32>
    %max3A_15 = arith.maximumf %sub3A, %max3A_14 : vector<8x20480xf32>
    %sqrt3A = math.sqrt %max3A_15 : vector<8x20480xf32>
    %lt3A = arith.constant 3.000000e-01 : f32
    %lt3A_16 = vector.broadcast %lt3A : f32 to vector<8x20480xf32>
    %lt3A_17 = arith.cmpf olt, %sqrt3A, %lt3A_16 : vector<8x20480xf32>
    %jit3A = arith.constant 1.000000e+30 : f32
    %broadcast_in_dim3A = vector.broadcast %jit3A : f32 to vector<8x20480xf32>
    %select_n3A = arith.select %lt3A_17, %sqrt3A, %broadcast_in_dim3A : vector<8x20480xi1>, vector<8x20480xf32>
    %iota3A = tpu.iota {dimensions = array<i32: 1>} : vector<8x20480xi32>
    %iota3A_18 = tpu.iota {dimensions = array<i32: 1>} : vector<8x32xi32>
    %broadcast_in_dim3A_19 = arith.constant 0.000000e+00 : f32
    %broadcast_in_dim3A_20 = vector.broadcast %broadcast_in_dim3A_19 : f32 to vector<8x32xf32>
    %broadcast_in_dim3A_21 = arith.constant 0 : i32
    %broadcast_in_dim3A_22 = vector.broadcast %broadcast_in_dim3A_21 : i32 to vector<8x32xi32>
    %scan3A = arith.constant 0 : i32
    %scan3A_23 = arith.constant 32 : i32
    %scan3A_24 = arith.addi %scan3A, %scan3A_23 : i32
    %scan3A_25 = arith.constant 1 : i32
    %scan3A_26:3 = scf.for %scan3A_33 = %scan3A to %scan3A_24 step %scan3A_25 iter_args(%scan3A_34 = %select_n3A, %scan3A_35 = %broadcast_in_dim3A_20, %scan3A_36 = %broadcast_in_dim3A_22) -> (vector<8x20480xf32>, vector<8x32xf32>, vector<8x32xi32>)  : i32 {
      %reduce_min3A = arith.constant dense<0x7F800000> : vector<8xf32>
      %reduce_min3A_37 = vector.multi_reduction <minimumf>, %scan3A_34, %reduce_min3A [1] : vector<8x20480xf32> to vector<8xf32>
      %broadcast_in_dim3A_38 = vector.shape_cast %reduce_min3A_37 : vector<8xf32> to vector<8x1xf32>
      %eq3A = vector.broadcast %broadcast_in_dim3A_38 : vector<8x1xf32> to vector<8x20480xf32>
      %eq3A_39 = arith.cmpf oeq, %scan3A_34, %eq3A : vector<8x20480xf32>
      %jit3A_40 = arith.constant 20480 : i32
      %broadcast_in_dim3A_41 = vector.broadcast %jit3A_40 : i32 to vector<8x20480xi32>
      %select_n3A_42 = arith.select %eq3A_39, %iota3A, %broadcast_in_dim3A_41 : vector<8x20480xi1>, vector<8x20480xi32>
      %reduce_min3A_43 = arith.constant dense<2147483647> : vector<8xi32>
      %reduce_min3A_44 = vector.multi_reduction <minsi>, %select_n3A_42, %reduce_min3A_43 [1] : vector<8x20480xi32> to vector<8xi32>
      %broadcast_in_dim3A_45 = vector.shape_cast %reduce_min3A_44 : vector<8xi32> to vector<8x1xi32>
      %eq3A_46 = vector.broadcast %scan3A_33 : i32 to vector<8x32xi32>
      %eq3A_47 = arith.cmpi eq, %iota3A_18, %eq3A_46 : vector<8x32xi32>
      %broadcast_in_dim3A_48 = vector.shape_cast %broadcast_in_dim3A_38 : vector<8x1xf32> to vector<8x1xf32>
      %broadcast_in_dim3A_49 = vector.broadcast %broadcast_in_dim3A_48 : vector<8x1xf32> to vector<8x32xf32>
      %select_n3A_50 = arith.select %eq3A_47, %broadcast_in_dim3A_49, %scan3A_35 : vector<8x32xi1>, vector<8x32xf32>
      %eq3A_51 = vector.broadcast %scan3A_33 : i32 to vector<8x32xi32>
      %eq3A_52 = arith.cmpi eq, %iota3A_18, %eq3A_51 : vector<8x32xi32>
      %broadcast_in_dim3A_53 = vector.shape_cast %broadcast_in_dim3A_45 : vector<8x1xi32> to vector<8x1xi32>
      %broadcast_in_dim3A_54 = vector.broadcast %broadcast_in_dim3A_53 : vector<8x1xi32> to vector<8x32xi32>
      %select_n3A_55 = arith.select %eq3A_52, %broadcast_in_dim3A_54, %scan3A_36 : vector<8x32xi1>, vector<8x32xi32>
      %eq3A_56 = vector.broadcast %broadcast_in_dim3A_45 : vector<8x1xi32> to vector<8x20480xi32>
      %eq3A_57 = arith.cmpi eq, %iota3A, %eq3A_56 : vector<8x20480xi32>
      %jit3A_58 = arith.constant 2.000000e+30 : f32
      %broadcast_in_dim3A_59 = vector.broadcast %jit3A_58 : f32 to vector<8x20480xf32>
      %select_n3A_60 = arith.select %eq3A_57, %broadcast_in_dim3A_59, %scan3A_34 : vector<8x20480xi1>, vector<8x20480xf32>
      scf.yield %select_n3A_60, %select_n3A_50, %select_n3A_55 : vector<8x20480xf32>, vector<8x32xf32>, vector<8x32xi32>
    }
    %scan3A_27 = arith.constant 32 : i32
    %swap3A = arith.constant 0 : index
    %swap3A_28 = arith.constant 0 : index
    %swap3A_29 = vector.load %arg4[%swap3A, %swap3A_28] : memref<8x32xi32, #tpu.memory_space<vmem>>, vector<8x32xi32>
    tpu.vector_store %arg4[%swap3A, %swap3A_28], %scan3A_26#2 {strides = array<i32>} : memref<8x32xi32, #tpu.memory_space<vmem>>, vector<8x32xi32>,
    %swap3A_30 = arith.constant 0 : index
    %swap3A_31 = arith.constant 0 : index
    %swap3A_32 = vector.load %arg5[%swap3A_30, %swap3A_31] : memref<8x32xf32, #tpu.memory_space<vmem>>, vector<8x32xf32>
    tpu.vector_store %arg5[%swap3A_30, %swap3A_31], %scan3A_26#1 {strides = array<i32>} : memref<8x32xf32, #tpu.memory_space<vmem>>, vector<8x32xf32>,
    return
  }
  func.func @transform_0(%arg0: i32) -> (i32, i32) {
    %c0_i32 = arith.constant 0 : i32
    %c0_i32_0 = arith.constant 0 : i32
    return %arg0, %c0_i32 : i32, i32
  }
  func.func @transform_1(%arg0: i32) -> (i32, i32) {
    %c0_i32 = arith.constant 0 : i32
    %c0_i32_0 = arith.constant 0 : i32
    %c0_i32_1 = arith.constant 0 : i32
    return %c0_i32, %c0_i32_0 : i32, i32
  }
  func.func @transform_2(%arg0: i32) -> (i32, i32) {
    %c0_i32 = arith.constant 0 : i32
    %c0_i32_0 = arith.constant 0 : i32
    %c0_i32_1 = arith.constant 0 : i32
    return %c0_i32, %c0_i32_0 : i32, i32
  }
  func.func @transform_3(%arg0: i32) -> (i32, i32) {
    %c0_i32 = arith.constant 0 : i32
    %c0_i32_0 = arith.constant 0 : i32
    return %arg0, %c0_i32 : i32, i32
  }
  func.func @transform_4(%arg0: i32) -> (i32, i32) {
    %c0_i32 = arith.constant 0 : i32
    %c0_i32_0 = arith.constant 0 : i32
    return %arg0, %c0_i32 : i32, i32
  }
}

</mosaic_0001>

<sc_bundles>
// kernel: kernel.5.cloned.1.call-start
scs
__scs_entry_jumppad:
0x0: {  	(pc) =	sbr.rel $0x88, $3  }
0x1: {  	(tag) =	ssettag $0x0;
	lr =	simm.s32 $0x1  }
0x2: {  	[smem:$0x3F90] =	sst lr;
	_ =	strace $0xD0000000  }
0x3: {  	_ = 	snop  }
0x4: {  	_ = 	snop  }
0x5: {  	_ = 	snop  }
0x6: {  	_ = 	snop  }
0x7: {  	_ = 	snop  }
__scs_overlays_trampoline_lowered:
0x8: {  	[smem:$0x3F9F] =	sst s0  }
0x9: {  	[smem:$0x3FA0] =	sst s1  }
0xa: {  	[smem:$0x3FA1] =	sst s2  }
0xb: {  	[smem:$0x3FA2] =	sst s3  }
0xc: {  	[smem:$0x3FA3] =	sst s4  }
0xd: {  	[smem:$0x3FA4] =	sst s5  }
0xe: {  	[smem:$0x3FA5] =	sst s6  }
0xf: {  	[smem:$0x3FA6] =	sst s7  }
0x10: {  	[smem:$0x3FA7] =	sst s8  }
0x11: {  	[smem:$0x3FA8] =	sst s9;
	s0 =	simm.s32 @!p0 $0x0  }
0x12: {  	s1 =	sld [smem:$0x3F8E];
	s0 =	simm.s32 @p0 $0x1  }
0x13: {  	[smem:$0x3FA9] =	sst s0;
	s0 =	simm.s32 @!p1 $0x0  }
0x14: {  	s2 =	sld [smem:$0x3F8D];
	s0 =	simm.s32 @p1 $0x1  }
0x15: {  	[smem:$0x3FAA] =	sst s0;
	s0 =	simm.s32 @!p2 $0x0  }
0x16: {  	s3 =	sld [smem:$0x3FDB];
	s0 =	simm.s32 @p2 $0x1  }
0x17: {  	s4 =	simm.s32 $0x1BF5;
	[smem:$0x3FAC] =	sst s0  }
0x18: {  	s0 =	sld [smem:$0x3F8F];
	_ =	swait.ge [sflag:s4], $0x0  }
0x19: {  	s7 =	sld [smem:$0x3F90]  }
0x1a: {  	s8 =	sadd.s32 $0xFFFFE003, lr  }
0x1b: {  	s9 =	sadd.s32 $0xFFFFFEF7, lr;
	s5 =	simm.s32 $0xFFFFFFFF;
	p2 =	slt.u32 s8, $0xFFFFF086  }
0x1c: {  	p1 =	slt.u32 s9, $0xF7A;
	s5 =	simm.s32 @!p2 $0x0  }
0x1d: {  	s5 =	simm.s32 @p1 $0x1;
	p0 =	seq.s32 s7, s2  }
0x1e: {  	s7 =	smul.u32 @!p0 $0xF7A, s2;
	p2 =	seq.s32 @!p0 s5, $0x0  }
0x1f: {  	s9 =	smul.u32 $0xF7A, s1;
	s8 =	simm.s32 @!p0 $0x1BF5;
	p2 =	por !p2, p0  }
0x20: {  	[sflag:s8] =	ssyncset.s32 @!p0 $0xFFFFF086;
	s6 =	sadd.s32 @!p0 s3, s7;
	s7 =	simm.s32 @!p0 $0x108  }
0x21: {  	s3 =	sadd.s32 s3, s9;
	s6 =	sadd.s32 @!p0 $0x88, s6;
	s7 =	simm.s32 @p2 $0x1082  }
0x22: {  	[simem:s7], [sflag:s8] =	dma.local @!p0 [hbm:s6], $0xF7A  }
0x23: {  	s9 =	sor.u32 $0xD0000000, s2;
	s6 =	simm.s32 $0x108;
	_ =	swait.ge @!p0 [sflag:s8], $0x0  }
0x24: {  	s3 =	sadd.s32 $0x88, s3;
	s6 =	simm.s32 @!p1 $0x1082;
	[sflag:s4] =	ssyncset.s32 $0xFFFFF086  }
0x25: {  	[simem:s6], [sflag:s4] =	dma.local [hbm:s3], $0xF7A  }
0x26: {  	[smem:$0x3F90] =	sst s1;
	(tag) =	ssettag s2;
	_ =	strace s9  }
0x27: {  	s1 =	sld [smem:$0x3FA0]  }
0x28: {  	s2 =	sld [smem:$0x3FA1]  }
0x29: {  	s4 =	sld [smem:$0x3FA3]  }
0x2a: {  	p0 =	seq.s32 s5, $0x0;
	s5 =	sld [smem:$0x3FA4]  }
0x2b: {  	s6 =	sld [smem:$0x3FA5]  }
0x2c: {  	s7 =	sld [smem:$0x3FA6]  }
0x2d: {  	s3 =	simm.s32 $0x108;
	s8 =	sld [smem:$0x3FA7]  }
0x2e: {  	s3 =	simm.s32 @!p0 $0x1082;
	s9 =	sld [smem:$0x3FA8]  }
0x2f: {  	lr =	sadd.s32 s0, s3;
	s0 =	sld [smem:$0x3F9F]  }
0x30: {  	s3 =	sld [smem:$0x3FA2]  }
0x31: {  	[smem:$0x3FAB] =	sst s10  }
0x32: {  	s10 =	sld [smem:$0x3FA9];
	_ =	sdelay $0x3  }
0x33: {  	p0 =	seq.s32 s10, $0x1;
	s10 =	sld [smem:$0x3FAB];
	_ =	sdelay $0x3  }
0x34: {  	[smem:$0x3FAB] =	sst s10  }
0x35: {  	s10 =	sld [smem:$0x3FAA];
	_ =	sdelay $0x3  }
0x36: {  	p1 =	seq.s32 s10, $0x1;
	s10 =	sld [smem:$0x3FAB];
	_ =	sdelay $0x3  }
0x37: {  	[smem:$0x3FAB] =	sst s10  }
0x38: {  	s10 =	sld [smem:$0x3FAC]  }
0x39: {  	_ = 	snop;
	(pc) =	sbr.ind lr, $3  }
0x3a: {  	_ = 	snop  }
0x3b: {  	_ = 	snop  }
0x3c: {  	p2 =	seq.s32 s10, $0x1;
	s10 =	sld [smem:$0x3FAB]  }
0x3d: {  	_ =	shalt  }
0x3e: {  	_ =	shalt  }
0x3f: {  	_ =	shalt  }
0x40: {  	_ =	shalt  }
0x41: {  	_ =	shalt  }
0x42: {  	_ =	shalt  }
0x43: {  	_ =	shalt  }
0x44: {  	_ =	shalt  }
0x45: {  	_ =	shalt  }
0x46: {  	_ =	shalt  }
0x47: {  	_ =	shalt  }
0x48: {  	_ =	shalt  }
0x49: {  	_ =	shalt  }
0x4a: {  	_ =	shalt  }
0x4b: {  	_ =	shalt  }
0x4c: {  	_ =	shalt  }
0x4d: {  	_ =	shalt  }
0x4e: {  	_ =	shalt  }
0x4f: {  	_ =	shalt  }
0x50: {  	_ =	shalt  }
0x51: {  	_ =	shalt  }
0x52: {  	_ =	shalt  }
0x53: {  	_ =	shalt  }
0x54: {  	_ =	shalt  }
0x55: {  	_ =	shalt  }
0x56: {  	_ =	shalt  }
0x57: {  	_ =	shalt  }
0x58: {  	_ =	shalt  }
0x59: {  	_ =	shalt  }
0x5a: {  	_ =	shalt  }
0x5b: {  	_ =	shalt  }
0x5c: {  	_ =	shalt  }
0x5d: {  	_ =	shalt  }
0x5e: {  	_ =	shalt  }
0x5f: {  	_ =	shalt  }
0x60: {  	_ =	shalt  }
0x61: {  	_ =	shalt  }
0x62: {  	_ =	shalt  }
0x63: {  	_ =	shalt  }
0x64: {  	_ =	shalt  }
0x65: {  	_ =	shalt  }
0x66: {  	_ =	shalt  }
0x67: {  	_ =	shalt  }
0x68: {  	_ =	shalt  }
0x69: {  	_ =	shalt  }
0x6a: {  	_ =	shalt  }
0x6b: {  	_ =	shalt  }
0x6c: {  	_ =	shalt  }
0x6d: {  	_ =	shalt  }
0x6e: {  	_ =	shalt  }
0x6f: {  	_ =	shalt  }
0x70: {  	_ =	shalt  }
0x71: {  	_ =	shalt  }
0x72: {  	_ =	shalt  }
0x73: {  	_ =	shalt  }
0x74: {  	_ =	shalt  }
0x75: {  	_ =	shalt  }
0x76: {  	_ =	shalt  }
0x77: {  	_ =	shalt  }
0x78: {  	_ =	shalt  }
0x79: {  	_ =	shalt  }
0x7a: {  	_ =	shalt  }
0x7b: {  	_ =	shalt  }
0x7c: {  	_ =	shalt  }
0x7d: {  	_ =	shalt  }
0x7e: {  	_ =	shalt  }
0x7f: {  	_ =	shalt  }
0x80: {  	_ =	shalt  }
0x81: {  	_ =	shalt  }
0x82: {  	_ =	shalt  }
0x83: {  	_ =	shalt  }
0x84: {  	_ =	shalt  }
0x85: {  	_ =	shalt  }
0x86: {  	_ =	shalt  }
0x87: {  	_ =	shalt  }
.Lfunc_end0:
.L_simem_size_0:
called_computation_lowered:
.L_overlay_start_0:
0x88: {  	s2 =	sld [smem:$0x3FD9]  }
0x89: {  	s3 =	sld [smem:$0x3FFE];
	_ =	sdelay $0x1  }
0x8a: {  	s1 =	srdreg.scid  }
0x8b: {  	s0 =	sand.u32 $0x1, s1  }
0x8c: {  	s17 =	sshll.u32 s0, $0xA;
	s2 =	sadd.s32 s3, s2  }
0x8d: {  	s2 =	sadd.s32 s2, s17  }
0x8e: {  	[smem:$0x3FB7] =	sst s2  }
0x8f: {  	_ = 	snop  }
0x90: {  	s2 =	sld [smem:$0x3FD0];
	(tm) =	ssettm $0x1  }
0x91: {  	s18 =	sld [smem:$0x3FFB];
	_ =	sdelay $0x3  }
0x92: {  	_ =	strace s18  }
0x93: {  	s3 =	sld [smem:$0x3FFC];
	_ =	sdelay $0x3  }
0x94: {  	_ =	strace s3  }
0x95: {  	s3 =	sld [smem:$0x3FFD];
	_ =	sdelay $0x3  }
0x96: {  	_ =	strace s3  }
0x97: {  	_ =	strace $0x8FFFFFFF  }
0x98: {  	s19 =	sld [smem:$0x3FDB];
	_ =	sdelay $0x1  }
0x99: {  	s4 =	simm.s32 $_scs_section_size  }
0x9a: {  	s5 =	simm.s32 $_size__tile_overlayer_lowered;
	s6 =	simm.s32 $_tile_overlayer_lowered  }
0x9b: {  	s22 =	simm.s32 $0x1BFF;
	s21 =	sshll.u32 s6, $0x1;
	s3 =	sadd.s32 s4, s19  }
0x9c: {  	s7 =	simm.s32 $0x0;
	s20 =	sshll.u32 s5, $0x1;
	s5 =	sadd.s32 s21, s3  }
0x9d: {  	[timem:s7], [sflag:s22] =	dma.local [hbm:s5], s20  }
0x9e: {  	_ =	swait.ge [sflag:s22], s20  }
0x9f: {  	s4 =	ssub.s32 $0x0, s20;
	[sflag:s22] =	ssyncset.done $0x0  }
0xa0: {  	[sflag:s22] =	ssyncadd.s32 s4;
	_ =	sdelay $0x1  }
0xa1: {  	s23 =	simm.s32 $0x1B8B  }
0xa2: {  	_ =	swait.ge [sflag:s23], $0x1  }
0xa3: {  	[sflag:s23] =	ssyncset.done $0x0  }
0xa4: {  	s25 =	simm.s32 $0x1B8E;
	s24 =	sld [smem:$0x3FFE];
	[sflag:s23] =	ssyncadd.s32 $0xFFFFFFFF  }
0xa5: {  	s26 =	simm.s32 $execute0_lowered;
	[smem:$0x3FD2] =	sst s25  }
0xa6: {  	s5 =	sshll.u32 s26, $0x1;
	_ =	strace $0x80000046;
	[dreg:$0x1] =	wrdreg $0xFFFFFFFF  }
0xa7: {  	s28 =	simm.s32 $_size_execute0_lowered;
	s3 =	sadd.s32 s3, s5;
	[dreg:$0x0] =	wrdreg $0x0  }
0xa8: {  	s5 =	sshll.u32 s28, $0x1;
	[dreg:$0x2] =	wrdreg s3  }
0xa9: {  	[dreg:$0x3] =	wrdreg s5  }
0xaa: {  	[dreg:$0x4] =	wrdreg $0xC0  }
0xab: {  	_ =	task [dreg:s7], $0x5FFFF  }
0xac: {  	[dreg:$0x1] =	wrdreg $0xFFFFFFFF  }
0xad: {  	[dreg:$0x0] =	wrdreg $0x60  }
0xae: {  	[dreg:$0x2] =	wrdreg s2  }
0xaf: {  	[dreg:$0x3] =	wrdreg s24  }
0xb0: {  	[dreg:$0x4] =	wrdreg $0x9  }
0xb1: {  	_ =	task.clear_ibuf [dreg:s7], $0x5FFFF;
	_ =	strace $0x90000046  }
0xb2: {  	s29 =	simm.s32 $0x9;
	_ =	strace $0x80000048  }
0xb3: {  	_ =	swait.ge [sflag:s29], $0x1  }
0xb4: {  	[sflag:s29] =	ssyncadd.s32 $0xFFFFFFFF  }
0xb5: {  	_ =	strace $0x90000048  }
0xb6: {  	_ =	sfence  }
0xb7: {  	s30 =	sld [smem:$0x0];
	_ =	sdelay $0x2  }
0xb8: {  	s31 =	sshll.u32 s1, $0xD;
	s1 =	sshrl.u32 s1, $0x2  }
0xb9: {  	s3 =	sand.u32 $0x4000, s31;
	s1 =	sadd.s32 s1, s30  }
0xba: {  	s0 =	sor.u32 s3, s0;
	s1 =	sshll.u32 s1, $0x11  }
0xbb: {  	s0 =	sor.u32 s1, s0  }
0xbc: {  	s0 =	sadd.s32 $0x8F2B, s0  }
0xbd: {  	[sflag:s0] =	ssyncadd.remote.s32 $0x1  }
0xbe: {  	_ =	sfence.sel $0xFFFF  }
0xbf: {  	[dreg:$0x0] =	wrdreg $0xFFFFFFFF;
	(pc) =	sbr.abs _section_cstart, $3  }
0xc0: {  	[dreg:$0x1] =	wrdreg $0xFFFFFFFF  }
0xc1: {  	_ =	task.clear_ibuf [dreg:s7], $0x2FFFF;
	_ =	strace $0x9FFFFFFF  }
0xc2: {  	(tm) =	ssettm $0x7FFFFFFF  }
0xc3: {  	_ =	shalt  }
tec
execute0_lowered:
.L_overlay_start_1:
0x0: {  	(tag) =	ssettag $0x1  }
0x1: {  	s1 =	srdreg.scid  }
0x2: {  	s0 =	stileid.u32;
	s2 =	rddreg [dreg:$0x0];
	s6 =	sand.u32 $0x1, s1  }
0x3: {  	s9 =	rddreg [dreg:$0x1];
	s30 =	sshll.u32 s0, $0x6;
	s3 =	sshll.u32 s6, $0x5  }
0x4: {  	s7 =	simm.s32 $0x80;
	s8 =	simm.s32 $0x1;
	s10 =	sor.u32 s3, s30  }
0x5: {  	s1 =	rddreg [dreg:$0x2];
	s3 =	simm.s32 $0x0;
	s4 =	sshrl.u32 s10, $0x3  }
0x6: {  	s11 =	ssub.s32 $0x2, s6;
	[smem:$0x7FF] =	sst s3;
	s4 =	sadd.s32 s4, s9  }
0x7: {  	_ =	strace $0x80000047;
	s5 =	sadd.s32 $0x1000, s4;
	s4 =	simm.s32 $0x2  }
0x8: {  	[tilespmem:s3], [sflag:$0x2] =	stream.linear.gather [hbm4b:s5+s3], $0x20, $0x38;
	[tilespmem:$0x1080] =	vst v63  }
0x9: {  	s6 =	simm.s32 $0x20;
	s12 =	sshrl.u32 s11, $0x1;
	_ =	swait.ge [sflag:s4], $0x20  }
0xa: {  	s10 =	sshll.u32 s10, $0x4;
	s31 =	ssub.s32 s11, s12;
	[sflag:s4] =	ssyncset.done $0x0  }
0xb: {  	s9 =	sadd.s32 s10, s9;
	s10 =	smax.u32 s31, $0x1;
	[sflag:s4] =	ssyncadd.s32 $0xFFFFFFE0  }
0xc: {  	[tilespmem:s7], [sflag:$0x1] =	stream.indirect.gather [hbm4b:s2+s6], $0x80, s3, s6, $0xb8;
	[tilespmem:$0x1080] =	vst v63  }
0xd: {  	p0 =	sne.s32 s10, $0x1;
	_ =	swait.ge [sflag:s8], $0x1000  }
.Ltmp0:
0xe: {  	[sflag:s8] =	ssyncset.done $0x0;
	(pc) =	sbr.rel @!p0 .LBB2_2-.Ltmp0, $4  }
0xf: {  	s9 =	sadd.s32 $0x1200, s9;
	[sflag:s8] =	ssyncadd.s32 $0xFFFFF000  }
0x10: {  	[hbm4b:s9+s3] =	stream.linear.scatter [tilespmem:s7], [sflag:$0x2], $0x1000, $0x38;
	[tilespmem:$0x1080] =	vst v63  }
0x11: {  	_ =	swait.ge [sflag:s4], $0x1000  }
0x12: {  	s10 =	sadd.s32 $0xFFFFFFFF, s10;
	[sflag:s4] =	ssyncset.done $0x0  }
.LBB2_1:
0x13: {  	p0 =	sne.s32 s10, $0x1;
	s10 =	sadd.s32 $0xFFFFFFFF, s10;
	[sflag:s4] =	ssyncadd.s32 $0xFFFFF000  }
0x14: {  	[tilespmem:s3], [sflag:$0x2] =	stream.linear.gather [hbm4b:s5+s3], $0x20, $0x38;
	[tilespmem:$0x1080] =	vst v63  }
0x15: {  	_ =	swait.ge [sflag:s4], $0x20  }
0x16: {  	[sflag:s4] =	ssyncset.done $0x0  }
0x17: {  	[sflag:s4] =	ssyncadd.s32 $0xFFFFFFE0  }
0x18: {  	[tilespmem:s7], [sflag:$0x1] =	stream.indirect.gather [hbm4b:s2+s6], $0x80, s3, s6, $0xb8;
	[tilespmem:$0x1080] =	vst v63  }
0x19: {  	_ =	swait.ge [sflag:s8], $0x1000  }
.Ltmp1:
0x1a: {  	[sflag:s8] =	ssyncset.done $0x0;
	(pc) =	sbr.rel @p0 .LBB2_1-.Ltmp1, $4  }
0x1b: {  	[sflag:s8] =	ssyncadd.s32 $0xFFFFF000  }
0x1c: {  	[hbm4b:s9+s3] =	stream.linear.scatter [tilespmem:s7], [sflag:$0x2], $0x1000, $0x38;
	[tilespmem:$0x1080] =	vst v63  }
0x1d: {  	_ =	swait.ge [sflag:s4], $0x1000  }
0x1e: {  	[sflag:s4] =	ssyncset.done $0x0  }
.LBB2_2:
0x1f: {  	[sflag:s4] =	ssyncadd.s32 $0xFFFFF000  }
0x20: {  	_ =	sfence.sel $0x180000  }
0x21: {  	[bflag:$0x0] =	sbarrier.arrive $0xFFFF  }
0x22: {  	p0 =	sne.s32 s0, $0x0;
	_ =	strace $0x90000047  }
0x23: {  	s0 =	sadd.s32 @!p0 $0x100000, s1;
	[bflag:$0x2] =	sbarrier.arrive $0xFFFF  }
0x24: {  	[sflag:s0] =	ssyncadd.tile.s32 @!p0 $0x1;
	_ =	shalt  }
.Lfunc_end2:
_tile_overlayer_lowered:
.L_overlay_start_2:
0x25: {  	(tag) =	ssettag $0x2  }
0x26: {  	s0 =	rddreg [dreg:$0x0];
	s2 =	stileid.u32  }
0x27: {  	s1 =	rddreg [dreg:$0x1];
	p0 =	sne.s32 s2, $0x0  }
0x28: {  	s3 =	rddreg [dreg:$0x2];
	[bflag:$0x3] =	sbarrier.arrive $0xFFFF;
	s2 =	simm.s32 @!p0 $0x1C02  }
0x29: {  	[timem:s3], [sflag:s2] =	dma.local @!p0 [hbm:s0], s1  }
0x2a: {  	s0 =	simm.s32 @!p0 $0x2  }
0x2b: {  	_ =	swait.ge @!p0 [sflag:s0], s1  }
0x2c: {  	s1 =	ssub.s32 @!p0 $0x0, s1;
	[sflag:s0] =	ssyncset.done @!p0 $0x0  }
0x2d: {  	[sflag:s0] =	ssyncadd.s32 @!p0 s1  }
0x2e: {  	[bflag:$0x3] =	sbarrier.arrive $0xFFFF  }
0x2f: {  	_ =	shalt  }

</sc_bundles>
